<compile_context>
chip_gen: v7x
topology: tpu7x:2x2x1
jax: 0.10.2.dev20260603
libtpu: 0.0.44.dev20260713+nightly
codegen_flags: <defaults>
</compile_context>

<pallas_src>
import functools

import jax
import jax.numpy as jnp
from jax import lax
from jax.experimental import pallas as pl
from jax.experimental.pallas import tpu as pltpu
from jax.experimental.pallas import tpu_sc as plsc

B = 1024
MAX_LEN = 20
VOCAB = 100000
EMB_DIM = 32
HID = MAX_LEN * EMB_DIM
N_TOK = B * MAX_LEN

NC, NS = 2, 16
NW = NC * NS
CHUNK = 128
TOK_PER_W = N_TOK // NW
CHUNKS_PER_W = TOK_PER_W // CHUNK


@functools.cache
def _make_sc_gather():
    mesh = plsc.VectorSubcoreMesh(
        core_axis_name="c", subcore_axis_name="s", num_cores=NC, num_subcores=NS
    )

    @functools.partial(
        pl.kernel,
        out_type=jax.ShapeDtypeStruct((N_TOK, EMB_DIM), jnp.float32),
        mesh=mesh,
        scratch_types=[
            pltpu.VMEM((CHUNKS_PER_W, CHUNK), jnp.int32),
            pltpu.VMEM((TOK_PER_W, EMB_DIM), jnp.float32),
            pltpu.SemaphoreType.DMA,
        ],
        compiler_params=pltpu.CompilerParams(use_tc_tiling_on_sc=False),
    )
    def _sc_gather(idx_hbm, table_hbm, out_hbm, idx_v, rows_v, sem):
        wid = lax.axis_index("s") * NC + lax.axis_index("c")
        pltpu.sync_copy(idx_hbm.at[wid], idx_v)
        copies = [
            pltpu.async_copy(
                table_hbm.at[idx_v.at[j]],
                rows_v.at[pl.ds(j * CHUNK, CHUNK)],
                sem,
            )
            for j in range(CHUNKS_PER_W)
        ]
        for c in copies:
            c.wait()
        pltpu.sync_copy(rows_v, out_hbm.at[pl.ds(wid * TOK_PER_W, TOK_PER_W)])

    return _sc_gather


VB = 4000
_NSTEP = VOCAB // VB


def _mm_body(h_hbm, w_hbm, b_hbm, o_hbm,
             h_vmem, b_vmem, w_buf, o_buf, ld_sem, w_sems, o_sems):
    i = pl.program_id(0)
    slot = lax.rem(i, 2)
    nxt = lax.rem(i + 1, 2)

    @pl.when(i == 0)
    def _prologue():
        pltpu.make_async_copy(h_hbm, h_vmem, ld_sem).start()
        pltpu.make_async_copy(b_hbm, b_vmem, ld_sem).start()
        pltpu.make_async_copy(
            w_hbm.at[pl.ds(0, VB)], w_buf.at[0], w_sems.at[0]).start()
        pltpu.make_async_copy(h_hbm, h_vmem, ld_sem).wait()
        pltpu.make_async_copy(b_hbm, b_vmem, ld_sem).wait()

    @pl.when(i + 1 < _NSTEP)
    def _prefetch():
        pltpu.make_async_copy(
            w_hbm.at[pl.ds((i + 1) * VB, VB)], w_buf.at[nxt],
            w_sems.at[nxt]).start()

    pltpu.make_async_copy(
        w_hbm.at[pl.ds(i * VB, VB)], w_buf.at[slot], w_sems.at[slot]).wait()

    @pl.when(i >= 2)
    def _drain_prev():
        pltpu.make_async_copy(
            o_buf.at[slot], o_hbm.at[pl.ds((i - 2) * VB, VB)],
            o_sems.at[slot]).wait()

    onehot = (lax.broadcasted_iota(jnp.int32, (1, 128), 1) == i).astype(
        jnp.float32)
    b_col = jnp.sum(b_vmem[...] * onehot, axis=1, keepdims=True)
    o_buf[slot] = lax.dot_general(
        w_buf[slot], h_vmem[...],
        dimension_numbers=(((1,), (1,)), ((), ())),
        preferred_element_type=jnp.float32,
    ) + b_col

    pltpu.make_async_copy(
        o_buf.at[slot], o_hbm.at[pl.ds(i * VB, VB)], o_sems.at[slot]).start()

    @pl.when(i == _NSTEP - 1)
    def _epilogue():
        pltpu.make_async_copy(
            o_buf.at[nxt], o_hbm.at[pl.ds((i - 1) * VB, VB)],
            o_sems.at[nxt]).wait()
        pltpu.make_async_copy(
            o_buf.at[slot], o_hbm.at[pl.ds(i * VB, VB)],
            o_sems.at[slot]).wait()


def _tc_matmul(h, W, bL):
    return pl.pallas_call(
        _mm_body,
        grid=(_NSTEP,),
        in_specs=[
            pl.BlockSpec(memory_space=pltpu.HBM),
            pl.BlockSpec(memory_space=pltpu.HBM),
            pl.BlockSpec(memory_space=pltpu.HBM),
        ],
        out_specs=pl.BlockSpec(memory_space=pltpu.HBM),
        out_shape=jax.ShapeDtypeStruct((VOCAB, B), jnp.float32),
        scratch_shapes=[
            pltpu.VMEM((B, HID), jnp.float32),
            pltpu.VMEM((VB, 128), jnp.float32),
            pltpu.VMEM((2, VB, HID), jnp.float32),
            pltpu.VMEM((2, VB, B), jnp.float32),
            pltpu.SemaphoreType.DMA,
            pltpu.SemaphoreType.DMA((2,)),
            pltpu.SemaphoreType.DMA((2,)),
        ],
        compiler_params=pltpu.CompilerParams(
            dimension_semantics=("arbitrary",),
            vmem_limit_bytes=100 * 1024 * 1024,
        ),
    )(h, W, bL)


def kernel(x, emb, W, b):
    idx = x.astype(jnp.int32).reshape(NW, CHUNKS_PER_W, CHUNK)
    h = _make_sc_gather()(idx, emb)
    h = h.reshape(B, HID)
    bL = jnp.zeros((VB, 128), jnp.float32).at[:, :_NSTEP].set(
        b.reshape(_NSTEP, VB).T)
    outT = _tc_matmul(h, W, bL)
    return outT.T

# --- scband reference (transcript-rebuilt; emitter-appended) ---
"""Pipeline reference for scband-tiny-lm-71468255805751 (READ-ONLY COPY).

The authoritative reference and input builder live on the scoring server;
editing this copy changes nothing except your own understanding.
"""

import jax, jax.numpy as jnp
import numpy as np

B = 1024
MAX_LEN = 20
VOCAB = 100000
EMB_DIM = 32

def setup_inputs(seed: int = 0) -> dict:
    key = jax.random.key(seed)
    k1, k2, k3 = jax.random.split(key, 3)
    x = jax.random.randint(k1, (B, MAX_LEN), 0, VOCAB, dtype=jnp.int64 if jax.config.jax_enable_x64 else jnp.int32)
    emb = jax.random.normal(k2, (VOCAB, EMB_DIM), dtype=jnp.float32) * 0.02
    W = jax.random.normal(k3, (VOCAB, EMB_DIM * MAX_LEN), dtype=jnp.float32) * 0.02
    b = jnp.zeros((VOCAB,), dtype=jnp.float32)
    return {"x": x, "emb": emb, "W": W, "b": b}

def reference(x, emb, W, b):
    # x = self.embedding(x)
    h = jnp.take(emb, x, axis=0)          # [B, MAX_LEN, EMB_DIM]
    # x = x.view(x.size(0), -1)
    h = h.reshape(h.shape[0], -1)          # [B, MAX_LEN*EMB_DIM]
    # x = self.fc(x)  (torch Linear: y = x @ W.T + b)
    out = h @ W.T + b                      # [B, VOCAB]
    return out

if __name__ == "__main__":
    import jax
    _d = setup_inputs()
    print(jax.jit(kernel)(*tuple(_d.values())))

</pallas_src>

<mosaic_0001>
#map = affine_map<(d0, d1) -> (0, 0, 0)>
#map1 = affine_map<(d0, d1) -> (0, 0)>
module attributes {stable_mosaic.version = 14 : i64} {
  func.func @_sc_gather(%arg0: i32, %arg1: i32, %arg2: memref<32x5x128xi32, #tpu.memory_space<hbm>>, %arg3: memref<100000x32xf32, #tpu.memory_space<hbm>>, %arg4: memref<20480x32xf32, #tpu.memory_space<hbm>>, %arg5: memref<5x128xi32, #tpu.memory_space<vmem>>, %arg6: memref<640x32xf32, #tpu.memory_space<vmem>>, %arg7: memref<!tpu.dma_semaphore, #tpu.memory_space<semaphore_mem>>) attributes {dimension_semantics = [#tpu.dimension_semantics<core_parallel>, #tpu.dimension_semantics<subcore_parallel>], iteration_bounds = array<i64: 2, 16>, scalar_prefetch = 0 : i64, scratch_operands = 3 : i64, tpu.core_type = #tpu.core_type<sc_vector_subcore>, window_params = [{transform_indices = #map}, {transform_indices = #map1}, {transform_indices = #map1}]} {
    %mul3A = arith.constant 2 : i32
    %mul3A_0 = arith.muli %arg1, %mul3A : i32
    %add3A = arith.addi %mul3A_0, %arg0 : i32
    "tpu.region"() ({
      %run_scoped3A = tpu.sem_alloc : memref<!tpu.dma_semaphore, #tpu.memory_space<semaphore_mem>>
      %dma_start3A_101 = arith.constant 0 : i32
      %dma_start3A_102 = arith.constant 0 : i32
      %dma_start3A_103 = tpu.memref_slice %arg2[%add3A, %dma_start3A_101, %dma_start3A_102] : memref<32x5x128xi32, #tpu.memory_space<hbm>> -> memref<1x5x128xi32, #tpu.memory_space<hbm>>
      %dma_start3A_104 = tpu.memref_squeeze %dma_start3A_103 : memref<1x5x128xi32, #tpu.memory_space<hbm>> -> memref<5x128xi32, #tpu.memory_space<hbm>>
      %dma_start3A_105 = arith.constant 0 : i32
      %dma_start3A_106 = arith.constant 0 : i32
      %dma_start3A_107 = tpu.memref_slice %arg2[%add3A, %dma_start3A_105, %dma_start3A_106] : memref<32x5x128xi32, #tpu.memory_space<hbm>> -> memref<1x5x128xi32, #tpu.memory_space<hbm>>
      %dma_start3A_108 = tpu.memref_squeeze %dma_start3A_107 : memref<1x5x128xi32, #tpu.memory_space<hbm>> -> memref<5x128xi32, #tpu.memory_space<hbm>>
      tpu.enqueue_dma source(%dma_start3A_108 : memref<5x128xi32, #tpu.memory_space<hbm>>) target(%arg5 : memref<5x128xi32, #tpu.memory_space<vmem>>) target_semaphore(%run_scoped3A : memref<!tpu.dma_semaphore, #tpu.memory_space<semaphore_mem>>)
      %dma_wait3A_109 = arith.constant 0 : i32
      %dma_wait3A_110 = arith.constant 0 : i32
      %dma_wait3A_111 = tpu.memref_slice %arg2[%add3A, %dma_wait3A_109, %dma_wait3A_110] : memref<32x5x128xi32, #tpu.memory_space<hbm>> -> memref<1x5x128xi32, #tpu.memory_space<hbm>>
      %dma_wait3A_112 = tpu.memref_squeeze %dma_wait3A_111 : memref<1x5x128xi32, #tpu.memory_space<hbm>> -> memref<5x128xi32, #tpu.memory_space<hbm>>
      %dma_wait3A_113 = arith.constant 0 : i32
      %dma_wait3A_114 = arith.constant 0 : i32
      %dma_wait3A_115 = tpu.memref_slice %arg2[%add3A, %dma_wait3A_113, %dma_wait3A_114] : memref<32x5x128xi32, #tpu.memory_space<hbm>> -> memref<1x5x128xi32, #tpu.memory_space<hbm>>
      %dma_wait3A_116 = tpu.memref_squeeze %dma_wait3A_115 : memref<1x5x128xi32, #tpu.memory_space<hbm>> -> memref<5x128xi32, #tpu.memory_space<hbm>>
      tpu.wait_dma2 semaphore(%run_scoped3A : memref<!tpu.dma_semaphore, #tpu.memory_space<semaphore_mem>>) src(%dma_wait3A_116 : memref<5x128xi32, #tpu.memory_space<hbm>>) dst(%arg5 : memref<5x128xi32, #tpu.memory_space<vmem>>)
      tpu.yield
    }) : () -> ()
    %dma_start3A = arith.constant 0 : i32
    %dma_start3A_1 = arith.constant 0 : i32
    %dma_start3A_2 = arith.constant 0 : i32
    %dma_start3A_3 = tpu.memref_slice %arg6[%dma_start3A_1, %dma_start3A_2] : memref<640x32xf32, #tpu.memory_space<vmem>> -> memref<128x32xf32, #tpu.memory_space<vmem>>
    %dma_start3A_4 = arith.constant 0 : i32
    %dma_start3A_5 = tpu.memref_slice %arg5[%dma_start3A, %dma_start3A_4] : memref<5x128xi32, #tpu.memory_space<vmem>> -> memref<1x128xi32, #tpu.memory_space<vmem>>
    %dma_start3A_6 = tpu.memref_squeeze %dma_start3A_5 : memref<1x128xi32, #tpu.memory_space<vmem>> -> memref<128xi32, #tpu.memory_space<vmem>>
    %dma_start3A_7 = arith.constant 0 : i32
    %dma_start3A_8 = arith.constant 0 : i32
    %dma_start3A_9 = tpu.memref_slice %arg3[%dma_start3A_7, %dma_start3A_8] : memref<100000x32xf32, #tpu.memory_space<hbm>> -> memref<100000x32xf32, #tpu.memory_space<hbm>>
    tpu.enqueue_indirect_dma source(%dma_start3A_9 : memref<100000x32xf32, #tpu.memory_space<hbm>>) target(%dma_start3A_3 : memref<128x32xf32, #tpu.memory_space<vmem>>) offsets(%dma_start3A_6 : memref<128xi32, #tpu.memory_space<vmem>>) semaphore(%arg7 : memref<!tpu.dma_semaphore, #tpu.memory_space<semaphore_mem>>)
    %dma_start3A_10 = arith.constant 1 : i32
    %dma_start3A_11 = arith.constant 128 : i32
    %dma_start3A_12 = arith.constant 0 : i32
    %dma_start3A_13 = tpu.memref_slice %arg6[%dma_start3A_11, %dma_start3A_12] : memref<640x32xf32, #tpu.memory_space<vmem>> -> memref<128x32xf32, #tpu.memory_space<vmem>>
    %dma_start3A_14 = arith.constant 0 : i32
    %dma_start3A_15 = tpu.memref_slice %arg5[%dma_start3A_10, %dma_start3A_14] : memref<5x128xi32, #tpu.memory_space<vmem>> -> memref<1x128xi32, #tpu.memory_space<vmem>>
    %dma_start3A_16 = tpu.memref_squeeze %dma_start3A_15 : memref<1x128xi32, #tpu.memory_space<vmem>> -> memref<128xi32, #tpu.memory_space<vmem>>
    %dma_start3A_17 = arith.constant 0 : i32
    %dma_start3A_18 = arith.constant 0 : i32
    %dma_start3A_19 = tpu.memref_slice %arg3[%dma_start3A_17, %dma_start3A_18] : memref<100000x32xf32, #tpu.memory_space<hbm>> -> memref<100000x32xf32, #tpu.memory_space<hbm>>
    tpu.enqueue_indirect_dma source(%dma_start3A_19 : memref<100000x32xf32, #tpu.memory_space<hbm>>) target(%dma_start3A_13 : memref<128x32xf32, #tpu.memory_space<vmem>>) offsets(%dma_start3A_16 : memref<128xi32, #tpu.memory_space<vmem>>) semaphore(%arg7 : memref<!tpu.dma_semaphore, #tpu.memory_space<semaphore_mem>>)
    %dma_start3A_20 = arith.constant 2 : i32
    %dma_start3A_21 = arith.constant 256 : i32
    %dma_start3A_22 = arith.constant 0 : i32
    %dma_start3A_23 = tpu.memref_slice %arg6[%dma_start3A_21, %dma_start3A_22] : memref<640x32xf32, #tpu.memory_space<vmem>> -> memref<128x32xf32, #tpu.memory_space<vmem>>
    %dma_start3A_24 = arith.constant 0 : i32
    %dma_start3A_25 = tpu.memref_slice %arg5[%dma_start3A_20, %dma_start3A_24] : memref<5x128xi32, #tpu.memory_space<vmem>> -> memref<1x128xi32, #tpu.memory_space<vmem>>
    %dma_start3A_26 = tpu.memref_squeeze %dma_start3A_25 : memref<1x128xi32, #tpu.memory_space<vmem>> -> memref<128xi32, #tpu.memory_space<vmem>>
    %dma_start3A_27 = arith.constant 0 : i32
    %dma_start3A_28 = arith.constant 0 : i32
    %dma_start3A_29 = tpu.memref_slice %arg3[%dma_start3A_27, %dma_start3A_28] : memref<100000x32xf32, #tpu.memory_space<hbm>> -> memref<100000x32xf32, #tpu.memory_space<hbm>>
    tpu.enqueue_indirect_dma source(%dma_start3A_29 : memref<100000x32xf32, #tpu.memory_space<hbm>>) target(%dma_start3A_23 : memref<128x32xf32, #tpu.memory_space<vmem>>) offsets(%dma_start3A_26 : memref<128xi32, #tpu.memory_space<vmem>>) semaphore(%arg7 : memref<!tpu.dma_semaphore, #tpu.memory_space<semaphore_mem>>)
    %dma_start3A_30 = arith.constant 3 : i32
    %dma_start3A_31 = arith.constant 384 : i32
    %dma_start3A_32 = arith.constant 0 : i32
    %dma_start3A_33 = tpu.memref_slice %arg6[%dma_start3A_31, %dma_start3A_32] : memref<640x32xf32, #tpu.memory_space<vmem>> -> memref<128x32xf32, #tpu.memory_space<vmem>>
    %dma_start3A_34 = arith.constant 0 : i32
    %dma_start3A_35 = tpu.memref_slice %arg5[%dma_start3A_30, %dma_start3A_34] : memref<5x128xi32, #tpu.memory_space<vmem>> -> memref<1x128xi32, #tpu.memory_space<vmem>>
    %dma_start3A_36 = tpu.memref_squeeze %dma_start3A_35 : memref<1x128xi32, #tpu.memory_space<vmem>> -> memref<128xi32, #tpu.memory_space<vmem>>
    %dma_start3A_37 = arith.constant 0 : i32
    %dma_start3A_38 = arith.constant 0 : i32
    %dma_start3A_39 = tpu.memref_slice %arg3[%dma_start3A_37, %dma_start3A_38] : memref<100000x32xf32, #tpu.memory_space<hbm>> -> memref<100000x32xf32, #tpu.memory_space<hbm>>
    tpu.enqueue_indirect_dma source(%dma_start3A_39 : memref<100000x32xf32, #tpu.memory_space<hbm>>) target(%dma_start3A_33 : memref<128x32xf32, #tpu.memory_space<vmem>>) offsets(%dma_start3A_36 : memref<128xi32, #tpu.memory_space<vmem>>) semaphore(%arg7 : memref<!tpu.dma_semaphore, #tpu.memory_space<semaphore_mem>>)
    %dma_start3A_40 = arith.constant 4 : i32
    %dma_start3A_41 = arith.constant 512 : i32
    %dma_start3A_42 = arith.constant 0 : i32
    %dma_start3A_43 = tpu.memref_slice %arg6[%dma_start3A_41, %dma_start3A_42] : memref<640x32xf32, #tpu.memory_space<vmem>> -> memref<128x32xf32, #tpu.memory_space<vmem>>
    %dma_start3A_44 = arith.constant 0 : i32
    %dma_start3A_45 = tpu.memref_slice %arg5[%dma_start3A_40, %dma_start3A_44] : memref<5x128xi32, #tpu.memory_space<vmem>> -> memref<1x128xi32, #tpu.memory_space<vmem>>
    %dma_start3A_46 = tpu.memref_squeeze %dma_start3A_45 : memref<1x128xi32, #tpu.memory_space<vmem>> -> memref<128xi32, #tpu.memory_space<vmem>>
    %dma_start3A_47 = arith.constant 0 : i32
    %dma_start3A_48 = arith.constant 0 : i32
    %dma_start3A_49 = tpu.memref_slice %arg3[%dma_start3A_47, %dma_start3A_48] : memref<100000x32xf32, #tpu.memory_space<hbm>> -> memref<100000x32xf32, #tpu.memory_space<hbm>>
    tpu.enqueue_indirect_dma source(%dma_start3A_49 : memref<100000x32xf32, #tpu.memory_space<hbm>>) target(%dma_start3A_43 : memref<128x32xf32, #tpu.memory_space<vmem>>) offsets(%dma_start3A_46 : memref<128xi32, #tpu.memory_space<vmem>>) semaphore(%arg7 : memref<!tpu.dma_semaphore, #tpu.memory_space<semaphore_mem>>)
    %dma_wait3A = arith.constant 0 : i32
    %dma_wait3A_50 = arith.constant 0 : i32
    %dma_wait3A_51 = arith.constant 0 : i32
    %dma_wait3A_52 = tpu.memref_slice %arg6[%dma_wait3A_50, %dma_wait3A_51] : memref<640x32xf32, #tpu.memory_space<vmem>> -> memref<128x32xf32, #tpu.memory_space<vmem>>
    %dma_wait3A_53 = arith.constant 0 : i32
    %dma_wait3A_54 = tpu.memref_slice %arg5[%dma_wait3A, %dma_wait3A_53] : memref<5x128xi32, #tpu.memory_space<vmem>> -> memref<1x128xi32, #tpu.memory_space<vmem>>
    %dma_wait3A_55 = tpu.memref_squeeze %dma_wait3A_54 : memref<1x128xi32, #tpu.memory_space<vmem>> -> memref<128xi32, #tpu.memory_space<vmem>>
    %dma_wait3A_56 = arith.constant 0 : i32
    %dma_wait3A_57 = arith.constant 0 : i32
    %dma_wait3A_58 = tpu.memref_slice %arg3[%dma_wait3A_56, %dma_wait3A_57] : memref<100000x32xf32, #tpu.memory_space<hbm>> -> memref<100000x32xf32, #tpu.memory_space<hbm>>
    tpu.wait_indirect_dma semaphore(%arg7 : memref<!tpu.dma_semaphore, #tpu.memory_space<semaphore_mem>>) src(%dma_wait3A_58 : memref<100000x32xf32, #tpu.memory_space<hbm>>) dst(%dma_wait3A_52 : memref<128x32xf32, #tpu.memory_space<vmem>>)
    %dma_wait3A_59 = arith.constant 1 : i32
    %dma_wait3A_60 = arith.constant 128 : i32
    %dma_wait3A_61 = arith.constant 0 : i32
    %dma_wait3A_62 = tpu.memref_slice %arg6[%dma_wait3A_60, %dma_wait3A_61] : memref<640x32xf32, #tpu.memory_space<vmem>> -> memref<128x32xf32, #tpu.memory_space<vmem>>
    %dma_wait3A_63 = arith.constant 0 : i32
    %dma_wait3A_64 = tpu.memref_slice %arg5[%dma_wait3A_59, %dma_wait3A_63] : memref<5x128xi32, #tpu.memory_space<vmem>> -> memref<1x128xi32, #tpu.memory_space<vmem>>
    %dma_wait3A_65 = tpu.memref_squeeze %dma_wait3A_64 : memref<1x128xi32, #tpu.memory_space<vmem>> -> memref<128xi32, #tpu.memory_space<vmem>>
    %dma_wait3A_66 = arith.constant 0 : i32
    %dma_wait3A_67 = arith.constant 0 : i32
    %dma_wait3A_68 = tpu.memref_slice %arg3[%dma_wait3A_66, %dma_wait3A_67] : memref<100000x32xf32, #tpu.memory_space<hbm>> -> memref<100000x32xf32, #tpu.memory_space<hbm>>
    tpu.wait_indirect_dma semaphore(%arg7 : memref<!tpu.dma_semaphore, #tpu.memory_space<semaphore_mem>>) src(%dma_wait3A_68 : memref<100000x32xf32, #tpu.memory_space<hbm>>) dst(%dma_wait3A_62 : memref<128x32xf32, #tpu.memory_space<vmem>>)
    %dma_wait3A_69 = arith.constant 2 : i32
    %dma_wait3A_70 = arith.constant 256 : i32
    %dma_wait3A_71 = arith.constant 0 : i32
    %dma_wait3A_72 = tpu.memref_slice %arg6[%dma_wait3A_70, %dma_wait3A_71] : memref<640x32xf32, #tpu.memory_space<vmem>> -> memref<128x32xf32, #tpu.memory_space<vmem>>
    %dma_wait3A_73 = arith.constant 0 : i32
    %dma_wait3A_74 = tpu.memref_slice %arg5[%dma_wait3A_69, %dma_wait3A_73] : memref<5x128xi32, #tpu.memory_space<vmem>> -> memref<1x128xi32, #tpu.memory_space<vmem>>
    %dma_wait3A_75 = tpu.memref_squeeze %dma_wait3A_74 : memref<1x128xi32, #tpu.memory_space<vmem>> -> memref<128xi32, #tpu.memory_space<vmem>>
    %dma_wait3A_76 = arith.constant 0 : i32
    %dma_wait3A_77 = arith.constant 0 : i32
    %dma_wait3A_78 = tpu.memref_slice %arg3[%dma_wait3A_76, %dma_wait3A_77] : memref<100000x32xf32, #tpu.memory_space<hbm>> -> memref<100000x32xf32, #tpu.memory_space<hbm>>
    tpu.wait_indirect_dma semaphore(%arg7 : memref<!tpu.dma_semaphore, #tpu.memory_space<semaphore_mem>>) src(%dma_wait3A_78 : memref<100000x32xf32, #tpu.memory_space<hbm>>) dst(%dma_wait3A_72 : memref<128x32xf32, #tpu.memory_space<vmem>>)
    %dma_wait3A_79 = arith.constant 3 : i32
    %dma_wait3A_80 = arith.constant 384 : i32
    %dma_wait3A_81 = arith.constant 0 : i32
    %dma_wait3A_82 = tpu.memref_slice %arg6[%dma_wait3A_80, %dma_wait3A_81] : memref<640x32xf32, #tpu.memory_space<vmem>> -> memref<128x32xf32, #tpu.memory_space<vmem>>
    %dma_wait3A_83 = arith.constant 0 : i32
    %dma_wait3A_84 = tpu.memref_slice %arg5[%dma_wait3A_79, %dma_wait3A_83] : memref<5x128xi32, #tpu.memory_space<vmem>> -> memref<1x128xi32, #tpu.memory_space<vmem>>
    %dma_wait3A_85 = tpu.memref_squeeze %dma_wait3A_84 : memref<1x128xi32, #tpu.memory_space<vmem>> -> memref<128xi32, #tpu.memory_space<vmem>>
    %dma_wait3A_86 = arith.constant 0 : i32
    %dma_wait3A_87 = arith.constant 0 : i32
    %dma_wait3A_88 = tpu.memref_slice %arg3[%dma_wait3A_86, %dma_wait3A_87] : memref<100000x32xf32, #tpu.memory_space<hbm>> -> memref<100000x32xf32, #tpu.memory_space<hbm>>
    tpu.wait_indirect_dma semaphore(%arg7 : memref<!tpu.dma_semaphore, #tpu.memory_space<semaphore_mem>>) src(%dma_wait3A_88 : memref<100000x32xf32, #tpu.memory_space<hbm>>) dst(%dma_wait3A_82 : memref<128x32xf32, #tpu.memory_space<vmem>>)
    %dma_wait3A_89 = arith.constant 4 : i32
    %dma_wait3A_90 = arith.constant 512 : i32
    %dma_wait3A_91 = arith.constant 0 : i32
    %dma_wait3A_92 = tpu.memref_slice %arg6[%dma_wait3A_90, %dma_wait3A_91] : memref<640x32xf32, #tpu.memory_space<vmem>> -> memref<128x32xf32, #tpu.memory_space<vmem>>
    %dma_wait3A_93 = arith.constant 0 : i32
    %dma_wait3A_94 = tpu.memref_slice %arg5[%dma_wait3A_89, %dma_wait3A_93] : memref<5x128xi32, #tpu.memory_space<vmem>> -> memref<1x128xi32, #tpu.memory_space<vmem>>
    %dma_wait3A_95 = tpu.memref_squeeze %dma_wait3A_94 : memref<1x128xi32, #tpu.memory_space<vmem>> -> memref<128xi32, #tpu.memory_space<vmem>>
    %dma_wait3A_96 = arith.constant 0 : i32
    %dma_wait3A_97 = arith.constant 0 : i32
    %dma_wait3A_98 = tpu.memref_slice %arg3[%dma_wait3A_96, %dma_wait3A_97] : memref<100000x32xf32, #tpu.memory_space<hbm>> -> memref<100000x32xf32, #tpu.memory_space<hbm>>
    tpu.wait_indirect_dma semaphore(%arg7 : memref<!tpu.dma_semaphore, #tpu.memory_space<semaphore_mem>>) src(%dma_wait3A_98 : memref<100000x32xf32, #tpu.memory_space<hbm>>) dst(%dma_wait3A_92 : memref<128x32xf32, #tpu.memory_space<vmem>>)
    %mul3A_99 = arith.constant 640 : i32
    %mul3A_100 = arith.muli %add3A, %mul3A_99 : i32
    "tpu.region"() ({
      %run_scoped3A = tpu.sem_alloc : memref<!tpu.dma_semaphore, #tpu.memory_space<semaphore_mem>>
      %dma_start3A_101 = arith.constant 0 : i32
      %dma_start3A_102 = tpu.memref_slice %arg4[%mul3A_100, %dma_start3A_101] : memref<20480x32xf32, #tpu.memory_space<hbm>> -> memref<640x32xf32, #tpu.memory_space<hbm>>
      %dma_start3A_103 = arith.constant 0 : i32
      %dma_start3A_104 = tpu.memref_slice %arg4[%mul3A_100, %dma_start3A_103] : memref<20480x32xf32, #tpu.memory_space<hbm>> -> memref<640x32xf32, #tpu.memory_space<hbm>>
      tpu.enqueue_dma source(%arg6 : memref<640x32xf32, #tpu.memory_space<vmem>>) target(%dma_start3A_104 : memref<640x32xf32, #tpu.memory_space<hbm>>) target_semaphore(%run_scoped3A : memref<!tpu.dma_semaphore, #tpu.memory_space<semaphore_mem>>)
      %dma_wait3A_105 = arith.constant 0 : i32
      %dma_wait3A_106 = tpu.memref_slice %arg4[%mul3A_100, %dma_wait3A_105] : memref<20480x32xf32, #tpu.memory_space<hbm>> -> memref<640x32xf32, #tpu.memory_space<hbm>>
      %dma_wait3A_107 = arith.constant 0 : i32
      %dma_wait3A_108 = tpu.memref_slice %arg4[%mul3A_100, %dma_wait3A_107] : memref<20480x32xf32, #tpu.memory_space<hbm>> -> memref<640x32xf32, #tpu.memory_space<hbm>>
      tpu.wait_dma2 semaphore(%run_scoped3A : memref<!tpu.dma_semaphore, #tpu.memory_space<semaphore_mem>>) src(%arg6 : memref<640x32xf32, #tpu.memory_space<vmem>>) dst(%dma_wait3A_108 : memref<640x32xf32, #tpu.memory_space<hbm>>)
      tpu.yield
    }) : () -> ()
    return
  }
}

module attributes {stable_mosaic.version = 14 : i64} {
  func.func @_mm_body(%arg0: i32, %arg1: memref<1024x640xf32, #tpu.memory_space<hbm>>, %arg2: memref<100000x640xf32, #tpu.memory_space<hbm>>, %arg3: memref<4000x128xf32, #tpu.memory_space<hbm>>, %arg4: memref<100000x1024xf32, #tpu.memory_space<hbm>>, %arg5: memref<1024x640xf32, #tpu.memory_space<vmem>>, %arg6: memref<4000x128xf32, #tpu.memory_space<vmem>>, %arg7: memref<2x4000x640xf32, #tpu.memory_space<vmem>>, %arg8: memref<2x4000x1024xf32, #tpu.memory_space<vmem>>, %arg9: memref<!tpu.dma_semaphore, #tpu.memory_space<semaphore_mem>>, %arg10: memref<2x!tpu.dma_semaphore, #tpu.memory_space<semaphore_mem>>, %arg11: memref<2x!tpu.dma_semaphore, #tpu.memory_space<semaphore_mem>>) attributes {dimension_semantics = [#tpu.dimension_semantics<arbitrary>], iteration_bounds = array<i64: 25>, scalar_prefetch = 0 : i64, scratch_operands = 7 : i64, tpu.core_type = #tpu.core_type<tc>, window_params = [{}, {}, {}, {}]} {
    %rem3A = arith.constant 2 : i32
    %rem3A_0 = arith.remsi %arg0, %rem3A : i32
    %add3A = arith.constant 1 : i32
    %add3A_1 = arith.addi %arg0, %add3A : i32
    %rem3A_2 = arith.constant 2 : i32
    %rem3A_3 = arith.remsi %add3A_1, %rem3A_2 : i32
    %eq3A = arith.constant 0 : i32
    %eq3A_4 = arith.cmpi eq, %arg0, %eq3A : i32
    %convert_element_type3A = arith.extui %eq3A_4 : i1 to i32
    %cond3A = arith.constant 0 : i32
    %cond3A_5 = arith.cmpi ne, %convert_element_type3A, %cond3A : i32
    scf.if %cond3A_5 {
      tpu.enqueue_dma source(%arg1 : memref<1024x640xf32, #tpu.memory_space<hbm>>) target(%arg5 : memref<1024x640xf32, #tpu.memory_space<vmem>>) target_semaphore(%arg9 : memref<!tpu.dma_semaphore, #tpu.memory_space<semaphore_mem>>)
      tpu.enqueue_dma source(%arg3 : memref<4000x128xf32, #tpu.memory_space<hbm>>) target(%arg6 : memref<4000x128xf32, #tpu.memory_space<vmem>>) target_semaphore(%arg9 : memref<!tpu.dma_semaphore, #tpu.memory_space<semaphore_mem>>)
      %dma_start3A_63 = arith.constant 0 : i32
      %dma_start3A_64 = arith.constant 0 : i32
      %dma_start3A_65 = tpu.memref_slice %arg10[%dma_start3A_64] : memref<2x!tpu.dma_semaphore, #tpu.memory_space<semaphore_mem>> -> memref<1x!tpu.dma_semaphore, #tpu.memory_space<semaphore_mem>>
      %dma_start3A_66 = tpu.memref_squeeze %dma_start3A_65 : memref<1x!tpu.dma_semaphore, #tpu.memory_space<semaphore_mem>> -> memref<!tpu.dma_semaphore, #tpu.memory_space<semaphore_mem>>
      %dma_start3A_67 = arith.constant 0 : i32
      %dma_start3A_68 = arith.constant 0 : i32
      %dma_start3A_69 = tpu.memref_slice %arg7[%dma_start3A_63, %dma_start3A_67, %dma_start3A_68] : memref<2x4000x640xf32, #tpu.memory_space<vmem>> -> memref<1x4000x640xf32, #tpu.memory_space<vmem>>
      %dma_start3A_70 = tpu.memref_squeeze %dma_start3A_69 : memref<1x4000x640xf32, #tpu.memory_space<vmem>> -> memref<4000x640xf32, #tpu.memory_space<vmem>>
      %dma_start3A_71 = arith.constant 0 : i32
      %dma_start3A_72 = arith.constant 0 : i32
      %dma_start3A_73 = tpu.memref_slice %arg2[%dma_start3A_71, %dma_start3A_72] : memref<100000x640xf32, #tpu.memory_space<hbm>> -> memref<4000x640xf32, #tpu.memory_space<hbm>>
      tpu.enqueue_dma source(%dma_start3A_73 : memref<4000x640xf32, #tpu.memory_space<hbm>>) target(%dma_start3A_70 : memref<4000x640xf32, #tpu.memory_space<vmem>>) target_semaphore(%dma_start3A_66 : memref<!tpu.dma_semaphore, #tpu.memory_space<semaphore_mem>>)
      tpu.wait_dma2 semaphore(%arg9 : memref<!tpu.dma_semaphore, #tpu.memory_space<semaphore_mem>>) src(%arg1 : memref<1024x640xf32, #tpu.memory_space<hbm>>) dst(%arg5 : memref<1024x640xf32, #tpu.memory_space<vmem>>)
      tpu.wait_dma2 semaphore(%arg9 : memref<!tpu.dma_semaphore, #tpu.memory_space<semaphore_mem>>) src(%arg3 : memref<4000x128xf32, #tpu.memory_space<hbm>>) dst(%arg6 : memref<4000x128xf32, #tpu.memory_space<vmem>>)
    } else {
    }
    %add3A_6 = arith.constant 1 : i32
    %add3A_7 = arith.addi %arg0, %add3A_6 : i32
    %lt3A = arith.constant 25 : i32
    %lt3A_8 = arith.cmpi slt, %add3A_7, %lt3A : i32
    %convert_element_type3A_9 = arith.extui %lt3A_8 : i1 to i32
    %cond3A_10 = arith.constant 0 : i32
    %cond3A_11 = arith.cmpi ne, %convert_element_type3A_9, %cond3A_10 : i32
    scf.if %cond3A_11 {
      %add3A_63 = arith.constant 1 : i32
      %add3A_64 = arith.addi %arg0, %add3A_63 : i32
      %mul3A_65 = arith.constant 4000 : i32
      %mul3A_66 = arith.muli %add3A_64, %mul3A_65 : i32
      %dma_start3A_67 = tpu.memref_slice %arg10[%rem3A_3] : memref<2x!tpu.dma_semaphore, #tpu.memory_space<semaphore_mem>> -> memref<1x!tpu.dma_semaphore, #tpu.memory_space<semaphore_mem>>
      %dma_start3A_68 = tpu.memref_squeeze %dma_start3A_67 : memref<1x!tpu.dma_semaphore, #tpu.memory_space<semaphore_mem>> -> memref<!tpu.dma_semaphore, #tpu.memory_space<semaphore_mem>>
      %dma_start3A_69 = arith.constant 0 : i32
      %dma_start3A_70 = arith.constant 0 : i32
      %dma_start3A_71 = tpu.memref_slice %arg7[%rem3A_3, %dma_start3A_69, %dma_start3A_70] : memref<2x4000x640xf32, #tpu.memory_space<vmem>> -> memref<1x4000x640xf32, #tpu.memory_space<vmem>>
      %dma_start3A_72 = tpu.memref_squeeze %dma_start3A_71 : memref<1x4000x640xf32, #tpu.memory_space<vmem>> -> memref<4000x640xf32, #tpu.memory_space<vmem>>
      %dma_start3A_73 = arith.constant 0 : i32
      %dma_start3A_74 = tpu.memref_slice %arg2[%mul3A_66, %dma_start3A_73] : memref<100000x640xf32, #tpu.memory_space<hbm>> -> memref<4000x640xf32, #tpu.memory_space<hbm>>
      tpu.enqueue_dma source(%dma_start3A_74 : memref<4000x640xf32, #tpu.memory_space<hbm>>) target(%dma_start3A_72 : memref<4000x640xf32, #tpu.memory_space<vmem>>) target_semaphore(%dma_start3A_68 : memref<!tpu.dma_semaphore, #tpu.memory_space<semaphore_mem>>)
    } else {
    }
    %mul3A = arith.constant 4000 : i32
    %mul3A_12 = arith.muli %arg0, %mul3A : i32
    %dma_wait3A = tpu.memref_slice %arg10[%rem3A_0] : memref<2x!tpu.dma_semaphore, #tpu.memory_space<semaphore_mem>> -> memref<1x!tpu.dma_semaphore, #tpu.memory_space<semaphore_mem>>
    %dma_wait3A_13 = tpu.memref_squeeze %dma_wait3A : memref<1x!tpu.dma_semaphore, #tpu.memory_space<semaphore_mem>> -> memref<!tpu.dma_semaphore, #tpu.memory_space<semaphore_mem>>
    %dma_wait3A_14 = arith.constant 0 : i32
    %dma_wait3A_15 = arith.constant 0 : i32
    %dma_wait3A_16 = tpu.memref_slice %arg7[%rem3A_0, %dma_wait3A_14, %dma_wait3A_15] : memref<2x4000x640xf32, #tpu.memory_space<vmem>> -> memref<1x4000x640xf32, #tpu.memory_space<vmem>>
    %dma_wait3A_17 = tpu.memref_squeeze %dma_wait3A_16 : memref<1x4000x640xf32, #tpu.memory_space<vmem>> -> memref<4000x640xf32, #tpu.memory_space<vmem>>
    %dma_wait3A_18 = arith.constant 0 : i32
    %dma_wait3A_19 = tpu.memref_slice %arg2[%mul3A_12, %dma_wait3A_18] : memref<100000x640xf32, #tpu.memory_space<hbm>> -> memref<4000x640xf32, #tpu.memory_space<hbm>>
    tpu.wait_dma2 semaphore(%dma_wait3A_13 : memref<!tpu.dma_semaphore, #tpu.memory_space<semaphore_mem>>) src(%dma_wait3A_19 : memref<4000x640xf32, #tpu.memory_space<hbm>>) dst(%dma_wait3A_17 : memref<4000x640xf32, #tpu.memory_space<vmem>>)
    %ge3A = arith.constant 2 : i32
    %ge3A_20 = arith.cmpi sge, %arg0, %ge3A : i32
    %convert_element_type3A_21 = arith.extui %ge3A_20 : i1 to i32
    %cond3A_22 = arith.constant 0 : i32
    %cond3A_23 = arith.cmpi ne, %convert_element_type3A_21, %cond3A_22 : i32
    scf.if %cond3A_23 {
      %sub3A = arith.constant 2 : i32
      %sub3A_63 = arith.subi %arg0, %sub3A : i32
      %mul3A_64 = arith.constant 4000 : i32
      %mul3A_65 = arith.muli %sub3A_63, %mul3A_64 : i32
      %dma_wait3A_66 = tpu.memref_slice %arg11[%rem3A_0] : memref<2x!tpu.dma_semaphore, #tpu.memory_space<semaphore_mem>> -> memref<1x!tpu.dma_semaphore, #tpu.memory_space<semaphore_mem>>
      %dma_wait3A_67 = tpu.memref_squeeze %dma_wait3A_66 : memref<1x!tpu.dma_semaphore, #tpu.memory_space<semaphore_mem>> -> memref<!tpu.dma_semaphore, #tpu.memory_space<semaphore_mem>>
      %dma_wait3A_68 = arith.constant 0 : i32
      %dma_wait3A_69 = tpu.memref_slice %arg4[%mul3A_65, %dma_wait3A_68] : memref<100000x1024xf32, #tpu.memory_space<hbm>> -> memref<4000x1024xf32, #tpu.memory_space<hbm>>
      %dma_wait3A_70 = arith.constant 0 : i32
      %dma_wait3A_71 = arith.constant 0 : i32
      %dma_wait3A_72 = tpu.memref_slice %arg8[%rem3A_0, %dma_wait3A_70, %dma_wait3A_71] : memref<2x4000x1024xf32, #tpu.memory_space<vmem>> -> memref<1x4000x1024xf32, #tpu.memory_space<vmem>>
      %dma_wait3A_73 = tpu.memref_squeeze %dma_wait3A_72 : memref<1x4000x1024xf32, #tpu.memory_space<vmem>> -> memref<4000x1024xf32, #tpu.memory_space<vmem>>
      tpu.wait_dma2 semaphore(%dma_wait3A_67 : memref<!tpu.dma_semaphore, #tpu.memory_space<semaphore_mem>>) src(%dma_wait3A_73 : memref<4000x1024xf32, #tpu.memory_space<vmem>>) dst(%dma_wait3A_69 : memref<4000x1024xf32, #tpu.memory_space<hbm>>)
    } else {
    }
    %iota3A = tpu.iota {dimensions = array<i32: 1>} : vector<1x128xi32>
    %eq3A_24 = vector.broadcast %arg0 : i32 to vector<1x128xi32>
    %eq3A_25 = arith.cmpi eq, %iota3A, %eq3A_24 : vector<1x128xi32>
    %convert_element_type3A_26 = arith.extui %eq3A_25 : vector<1x128xi1> to vector<1x128xi32>
    %convert_element_type3A_27 = arith.sitofp %convert_element_type3A_26 : vector<1x128xi32> to vector<1x128xf32>
    %get3A = arith.constant 0 : index
    %get3A_28 = arith.constant 0 : index
    %get3A_29 = vector.load %arg6[%get3A, %get3A_28] : memref<4000x128xf32, #tpu.memory_space<vmem>>, vector<4000x128xf32>
    %mul3A_30 = vector.broadcast %convert_element_type3A_27 : vector<1x128xf32> to vector<4000x128xf32>
    %mul3A_31 = arith.mulf %get3A_29, %mul3A_30 : vector<4000x128xf32>
    %reduce_sum3A = arith.constant dense<0.000000e+00> : vector<4000xf32>
    %reduce_sum3A_32 = vector.multi_reduction <add>, %mul3A_31, %reduce_sum3A [1] : vector<4000x128xf32> to vector<4000xf32>
    %broadcast_in_dim3A = vector.shape_cast %reduce_sum3A_32 : vector<4000xf32> to vector<4000x1xf32>
    %get3A_33 = arith.index_cast %rem3A_0 : i32 to index
    %get3A_34 = arith.constant 0 : index
    %get3A_35 = arith.constant 0 : index
    %get3A_36 = vector.load %arg7[%get3A_33, %get3A_34, %get3A_35] : memref<2x4000x640xf32, #tpu.memory_space<vmem>>, vector<1x4000x640xf32>
    %get3A_37 = vector.shape_cast %get3A_36 : vector<1x4000x640xf32> to vector<4000x640xf32>
    %get3A_38 = arith.constant 0 : index
    %get3A_39 = arith.constant 0 : index
    %get3A_40 = vector.load %arg5[%get3A_38, %get3A_39] : memref<1024x640xf32, #tpu.memory_space<vmem>>, vector<1024x640xf32>
    %dot_general3A = arith.constant dense<0.000000e+00> : vector<4000x1024xf32>
    %dot_general3A_41 = tpu.matmul %get3A_37, %get3A_40, %dot_general3A {dimension_numbers = #tpu.dot_dimension_numbers<[1], [1], [0], [0], [0, 0, 1, 0], [], []>, transpose_lhs_hint = false} : vector<4000x640xf32>, vector<1024x640xf32>, vector<4000x1024xf32> -> vector<4000x1024xf32>
    %add3A_42 = vector.broadcast %broadcast_in_dim3A : vector<4000x1xf32> to vector<4000x1024xf32>
    %add3A_43 = arith.addf %dot_general3A_41, %add3A_42 : vector<4000x1024xf32>
    %swap3A = arith.index_cast %rem3A_0 : i32 to index
    %swap3A_44 = arith.constant 0 : index
    %swap3A_45 = arith.constant 0 : index
    %swap3A_46 = vector.load %arg8[%swap3A, %swap3A_44, %swap3A_45] : memref<2x4000x1024xf32, #tpu.memory_space<vmem>>, vector<1x4000x1024xf32>
    %swap3A_47 = vector.shape_cast %swap3A_46 : vector<1x4000x1024xf32> to vector<4000x1024xf32>
    %swap3A_48 = vector.shape_cast %add3A_43 : vector<4000x1024xf32> to vector<1x4000x1024xf32>
    tpu.vector_store %arg8[%swap3A, %swap3A_44, %swap3A_45], %swap3A_48 {strides = array<i32>} : memref<2x4000x1024xf32, #tpu.memory_space<vmem>>, vector<1x4000x1024xf32>,
    %mul3A_49 = arith.constant 4000 : i32
    %mul3A_50 = arith.muli %arg0, %mul3A_49 : i32
    %dma_start3A = tpu.memref_slice %arg11[%rem3A_0] : memref<2x!tpu.dma_semaphore, #tpu.memory_space<semaphore_mem>> -> memref<1x!tpu.dma_semaphore, #tpu.memory_space<semaphore_mem>>
    %dma_start3A_51 = tpu.memref_squeeze %dma_start3A : memref<1x!tpu.dma_semaphore, #tpu.memory_space<semaphore_mem>> -> memref<!tpu.dma_semaphore, #tpu.memory_space<semaphore_mem>>
    %dma_start3A_52 = arith.constant 0 : i32
    %dma_start3A_53 = tpu.memref_slice %arg4[%mul3A_50, %dma_start3A_52] : memref<100000x1024xf32, #tpu.memory_space<hbm>> -> memref<4000x1024xf32, #tpu.memory_space<hbm>>
    %dma_start3A_54 = arith.constant 0 : i32
    %dma_start3A_55 = arith.constant 0 : i32
    %dma_start3A_56 = tpu.memref_slice %arg8[%rem3A_0, %dma_start3A_54, %dma_start3A_55] : memref<2x4000x1024xf32, #tpu.memory_space<vmem>> -> memref<1x4000x1024xf32, #tpu.memory_space<vmem>>
    %dma_start3A_57 = tpu.memref_squeeze %dma_start3A_56 : memref<1x4000x1024xf32, #tpu.memory_space<vmem>> -> memref<4000x1024xf32, #tpu.memory_space<vmem>>
    tpu.enqueue_dma source(%dma_start3A_57 : memref<4000x1024xf32, #tpu.memory_space<vmem>>) target(%dma_start3A_53 : memref<4000x1024xf32, #tpu.memory_space<hbm>>) target_semaphore(%dma_start3A_51 : memref<!tpu.dma_semaphore, #tpu.memory_space<semaphore_mem>>)
    %eq3A_58 = arith.constant 24 : i32
    %eq3A_59 = arith.cmpi eq, %arg0, %eq3A_58 : i32
    %convert_element_type3A_60 = arith.extui %eq3A_59 : i1 to i32
    %cond3A_61 = arith.constant 0 : i32
    %cond3A_62 = arith.cmpi ne, %convert_element_type3A_60, %cond3A_61 : i32
    scf.if %cond3A_62 {
      %sub3A = arith.constant 1 : i32
      %sub3A_63 = arith.subi %arg0, %sub3A : i32
      %mul3A_64 = arith.constant 4000 : i32
      %mul3A_65 = arith.muli %sub3A_63, %mul3A_64 : i32
      %dma_wait3A_66 = tpu.memref_slice %arg11[%rem3A_3] : memref<2x!tpu.dma_semaphore, #tpu.memory_space<semaphore_mem>> -> memref<1x!tpu.dma_semaphore, #tpu.memory_space<semaphore_mem>>
      %dma_wait3A_67 = tpu.memref_squeeze %dma_wait3A_66 : memref<1x!tpu.dma_semaphore, #tpu.memory_space<semaphore_mem>> -> memref<!tpu.dma_semaphore, #tpu.memory_space<semaphore_mem>>
      %dma_wait3A_68 = arith.constant 0 : i32
      %dma_wait3A_69 = tpu.memref_slice %arg4[%mul3A_65, %dma_wait3A_68] : memref<100000x1024xf32, #tpu.memory_space<hbm>> -> memref<4000x1024xf32, #tpu.memory_space<hbm>>
      %dma_wait3A_70 = arith.constant 0 : i32
      %dma_wait3A_71 = arith.constant 0 : i32
      %dma_wait3A_72 = tpu.memref_slice %arg8[%rem3A_3, %dma_wait3A_70, %dma_wait3A_71] : memref<2x4000x1024xf32, #tpu.memory_space<vmem>> -> memref<1x4000x1024xf32, #tpu.memory_space<vmem>>
      %dma_wait3A_73 = tpu.memref_squeeze %dma_wait3A_72 : memref<1x4000x1024xf32, #tpu.memory_space<vmem>> -> memref<4000x1024xf32, #tpu.memory_space<vmem>>
      tpu.wait_dma2 semaphore(%dma_wait3A_67 : memref<!tpu.dma_semaphore, #tpu.memory_space<semaphore_mem>>) src(%dma_wait3A_73 : memref<4000x1024xf32, #tpu.memory_space<vmem>>) dst(%dma_wait3A_69 : memref<4000x1024xf32, #tpu.memory_space<hbm>>)
      %mul3A_74 = arith.constant 4000 : i32
      %mul3A_75 = arith.muli %arg0, %mul3A_74 : i32
      %dma_wait3A_76 = tpu.memref_slice %arg11[%rem3A_0] : memref<2x!tpu.dma_semaphore, #tpu.memory_space<semaphore_mem>> -> memref<1x!tpu.dma_semaphore, #tpu.memory_space<semaphore_mem>>
      %dma_wait3A_77 = tpu.memref_squeeze %dma_wait3A_76 : memref<1x!tpu.dma_semaphore, #tpu.memory_space<semaphore_mem>> -> memref<!tpu.dma_semaphore, #tpu.memory_space<semaphore_mem>>
      %dma_wait3A_78 = arith.constant 0 : i32
      %dma_wait3A_79 = tpu.memref_slice %arg4[%mul3A_75, %dma_wait3A_78] : memref<100000x1024xf32, #tpu.memory_space<hbm>> -> memref<4000x1024xf32, #tpu.memory_space<hbm>>
      %dma_wait3A_80 = arith.constant 0 : i32
      %dma_wait3A_81 = arith.constant 0 : i32
      %dma_wait3A_82 = tpu.memref_slice %arg8[%rem3A_0, %dma_wait3A_80, %dma_wait3A_81] : memref<2x4000x1024xf32, #tpu.memory_space<vmem>> -> memref<1x4000x1024xf32, #tpu.memory_space<vmem>>
      %dma_wait3A_83 = tpu.memref_squeeze %dma_wait3A_82 : memref<1x4000x1024xf32, #tpu.memory_space<vmem>> -> memref<4000x1024xf32, #tpu.memory_space<vmem>>
      tpu.wait_dma2 semaphore(%dma_wait3A_77 : memref<!tpu.dma_semaphore, #tpu.memory_space<semaphore_mem>>) src(%dma_wait3A_83 : memref<4000x1024xf32, #tpu.memory_space<vmem>>) dst(%dma_wait3A_79 : memref<4000x1024xf32, #tpu.memory_space<hbm>>)
    } else {
    }
    return
  }
}

</mosaic_0001>

<sc_bundles>
// kernel: kernel.4.cloned.1.call-start
scs
__scs_entry_jumppad:
0x0: {  	(pc) =	sbr.rel $0x88, $3  }
0x1: {  	(tag) =	ssettag $0x0;
	lr =	simm.s32 $0x1  }
0x2: {  	[smem:$0x3F9D] =	sst lr;
	_ =	strace $0xD0000000  }
0x3: {  	_ = 	snop  }
0x4: {  	_ = 	snop  }
0x5: {  	_ = 	snop  }
0x6: {  	_ = 	snop  }
0x7: {  	_ = 	snop  }
__scs_overlays_trampoline_lowered:
0x8: {  	[smem:$0x3FAC] =	sst s0  }
0x9: {  	[smem:$0x3FAD] =	sst s1  }
0xa: {  	[smem:$0x3FAE] =	sst s2  }
0xb: {  	[smem:$0x3FAF] =	sst s3  }
0xc: {  	[smem:$0x3FB0] =	sst s4  }
0xd: {  	[smem:$0x3FB1] =	sst s5  }
0xe: {  	[smem:$0x3FB2] =	sst s6  }
0xf: {  	[smem:$0x3FB3] =	sst s7  }
0x10: {  	[smem:$0x3FB4] =	sst s8  }
0x11: {  	[smem:$0x3FB5] =	sst s9;
	s0 =	simm.s32 @!p0 $0x0  }
0x12: {  	s1 =	sld [smem:$0x3F9B];
	s0 =	simm.s32 @p0 $0x1  }
0x13: {  	[smem:$0x3FB6] =	sst s0;
	s0 =	simm.s32 @!p1 $0x0  }
0x14: {  	s2 =	sld [smem:$0x3F9A];
	s0 =	simm.s32 @p1 $0x1  }
0x15: {  	[smem:$0x3FB7] =	sst s0;
	s0 =	simm.s32 @!p2 $0x0  }
0x16: {  	s3 =	sld [smem:$0x3FDB];
	s0 =	simm.s32 @p2 $0x1  }
0x17: {  	s4 =	simm.s32 $0x1BF5;
	[smem:$0x3FB9] =	sst s0  }
0x18: {  	s0 =	sld [smem:$0x3F9C];
	_ =	swait.ge [sflag:s4], $0x0  }
0x19: {  	s7 =	sld [smem:$0x3F9D]  }
0x1a: {  	s8 =	sadd.s32 $0xFFFFE003, lr  }
0x1b: {  	s9 =	sadd.s32 $0xFFFFFEF7, lr;
	s5 =	simm.s32 $0xFFFFFFFF;
	p2 =	slt.u32 s8, $0xFFFFF086  }
0x1c: {  	p1 =	slt.u32 s9, $0xF7A;
	s5 =	simm.s32 @!p2 $0x0  }
0x1d: {  	s5 =	simm.s32 @p1 $0x1;
	p0 =	seq.s32 s7, s2  }
0x1e: {  	s7 =	smul.u32 @!p0 $0xF7A, s2;
	p2 =	seq.s32 @!p0 s5, $0x0  }
0x1f: {  	s9 =	smul.u32 $0xF7A, s1;
	s8 =	simm.s32 @!p0 $0x1BF5;
	p2 =	por !p2, p0  }
0x20: {  	[sflag:s8] =	ssyncset.s32 @!p0 $0xFFFFF086;
	s6 =	sadd.s32 @!p0 s3, s7;
	s7 =	simm.s32 @!p0 $0x108  }
0x21: {  	s3 =	sadd.s32 s3, s9;
	s6 =	sadd.s32 @!p0 $0x88, s6;
	s7 =	simm.s32 @p2 $0x1082  }
0x22: {  	[simem:s7], [sflag:s8] =	dma.local @!p0 [hbm:s6], $0xF7A  }
0x23: {  	s9 =	sor.u32 $0xD0000000, s2;
	s6 =	simm.s32 $0x108;
	_ =	swait.ge @!p0 [sflag:s8], $0x0  }
0x24: {  	s3 =	sadd.s32 $0x88, s3;
	s6 =	simm.s32 @!p1 $0x1082;
	[sflag:s4] =	ssyncset.s32 $0xFFFFF086  }
0x25: {  	[simem:s6], [sflag:s4] =	dma.local [hbm:s3], $0xF7A  }
0x26: {  	[smem:$0x3F9D] =	sst s1;
	(tag) =	ssettag s2;
	_ =	strace s9  }
0x27: {  	s1 =	sld [smem:$0x3FAD]  }
0x28: {  	s2 =	sld [smem:$0x3FAE]  }
0x29: {  	s4 =	sld [smem:$0x3FB0]  }
0x2a: {  	p0 =	seq.s32 s5, $0x0;
	s5 =	sld [smem:$0x3FB1]  }
0x2b: {  	s6 =	sld [smem:$0x3FB2]  }
0x2c: {  	s7 =	sld [smem:$0x3FB3]  }
0x2d: {  	s3 =	simm.s32 $0x108;
	s8 =	sld [smem:$0x3FB4]  }
0x2e: {  	s3 =	simm.s32 @!p0 $0x1082;
	s9 =	sld [smem:$0x3FB5]  }
0x2f: {  	lr =	sadd.s32 s0, s3;
	s0 =	sld [smem:$0x3FAC]  }
0x30: {  	s3 =	sld [smem:$0x3FAF]  }
0x31: {  	[smem:$0x3FB8] =	sst s10  }
0x32: {  	s10 =	sld [smem:$0x3FB6];
	_ =	sdelay $0x3  }
0x33: {  	p0 =	seq.s32 s10, $0x1;
	s10 =	sld [smem:$0x3FB8];
	_ =	sdelay $0x3  }
0x34: {  	[smem:$0x3FB8] =	sst s10  }
0x35: {  	s10 =	sld [smem:$0x3FB7];
	_ =	sdelay $0x3  }
0x36: {  	p1 =	seq.s32 s10, $0x1;
	s10 =	sld [smem:$0x3FB8];
	_ =	sdelay $0x3  }
0x37: {  	[smem:$0x3FB8] =	sst s10  }
0x38: {  	s10 =	sld [smem:$0x3FB9]  }
0x39: {  	_ = 	snop;
	(pc) =	sbr.ind lr, $3  }
0x3a: {  	_ = 	snop  }
0x3b: {  	_ = 	snop  }
0x3c: {  	p2 =	seq.s32 s10, $0x1;
	s10 =	sld [smem:$0x3FB8]  }
0x3d: {  	_ =	shalt  }
0x3e: {  	_ =	shalt  }
0x3f: {  	_ =	shalt  }
0x40: {  	_ =	shalt  }
0x41: {  	_ =	shalt  }
0x42: {  	_ =	shalt  }
0x43: {  	_ =	shalt  }
0x44: {  	_ =	shalt  }
0x45: {  	_ =	shalt  }
0x46: {  	_ =	shalt  }
0x47: {  	_ =	shalt  }
0x48: {  	_ =	shalt  }
0x49: {  	_ =	shalt  }
0x4a: {  	_ =	shalt  }
0x4b: {  	_ =	shalt  }
0x4c: {  	_ =	shalt  }
0x4d: {  	_ =	shalt  }
0x4e: {  	_ =	shalt  }
0x4f: {  	_ =	shalt  }
0x50: {  	_ =	shalt  }
0x51: {  	_ =	shalt  }
0x52: {  	_ =	shalt  }
0x53: {  	_ =	shalt  }
0x54: {  	_ =	shalt  }
0x55: {  	_ =	shalt  }
0x56: {  	_ =	shalt  }
0x57: {  	_ =	shalt  }
0x58: {  	_ =	shalt  }
0x59: {  	_ =	shalt  }
0x5a: {  	_ =	shalt  }
0x5b: {  	_ =	shalt  }
0x5c: {  	_ =	shalt  }
0x5d: {  	_ =	shalt  }
0x5e: {  	_ =	shalt  }
0x5f: {  	_ =	shalt  }
0x60: {  	_ =	shalt  }
0x61: {  	_ =	shalt  }
0x62: {  	_ =	shalt  }
0x63: {  	_ =	shalt  }
0x64: {  	_ =	shalt  }
0x65: {  	_ =	shalt  }
0x66: {  	_ =	shalt  }
0x67: {  	_ =	shalt  }
0x68: {  	_ =	shalt  }
0x69: {  	_ =	shalt  }
0x6a: {  	_ =	shalt  }
0x6b: {  	_ =	shalt  }
0x6c: {  	_ =	shalt  }
0x6d: {  	_ =	shalt  }
0x6e: {  	_ =	shalt  }
0x6f: {  	_ =	shalt  }
0x70: {  	_ =	shalt  }
0x71: {  	_ =	shalt  }
0x72: {  	_ =	shalt  }
0x73: {  	_ =	shalt  }
0x74: {  	_ =	shalt  }
0x75: {  	_ =	shalt  }
0x76: {  	_ =	shalt  }
0x77: {  	_ =	shalt  }
0x78: {  	_ =	shalt  }
0x79: {  	_ =	shalt  }
0x7a: {  	_ =	shalt  }
0x7b: {  	_ =	shalt  }
0x7c: {  	_ =	shalt  }
0x7d: {  	_ =	shalt  }
0x7e: {  	_ =	shalt  }
0x7f: {  	_ =	shalt  }
0x80: {  	_ =	shalt  }
0x81: {  	_ =	shalt  }
0x82: {  	_ =	shalt  }
0x83: {  	_ =	shalt  }
0x84: {  	_ =	shalt  }
0x85: {  	_ =	shalt  }
0x86: {  	_ =	shalt  }
0x87: {  	_ =	shalt  }
.Lfunc_end0:
.L_simem_size_0:
called_computation_lowered:
.L_overlay_start_0:
0x88: {  	s2 =	sld [smem:$0x3FD9]  }
0x89: {  	s3 =	sld [smem:$0x3FFE];
	_ =	sdelay $0x1  }
0x8a: {  	s1 =	srdreg.scid  }
0x8b: {  	s0 =	sand.u32 $0x1, s1  }
0x8c: {  	s17 =	sshll.u32 s0, $0xA;
	s2 =	sadd.s32 s3, s2  }
0x8d: {  	s2 =	sadd.s32 s2, s17  }
0x8e: {  	[smem:$0x3FC4] =	sst s2  }
0x8f: {  	_ = 	snop  }
0x90: {  	s2 =	sld [smem:$0x3FD0];
	(tm) =	ssettm $0x1  }
0x91: {  	s18 =	sld [smem:$0x3FFB];
	_ =	sdelay $0x3  }
0x92: {  	_ =	strace s18  }
0x93: {  	s3 =	sld [smem:$0x3FFC];
	_ =	sdelay $0x3  }
0x94: {  	_ =	strace s3  }
0x95: {  	s3 =	sld [smem:$0x3FFD];
	_ =	sdelay $0x3  }
0x96: {  	_ =	strace s3  }
0x97: {  	_ =	strace $0x8FFFFFFF  }
0x98: {  	s19 =	sld [smem:$0x3FDB];
	_ =	sdelay $0x1  }
0x99: {  	s4 =	simm.s32 $_scs_section_size  }
0x9a: {  	s5 =	simm.s32 $_size__tile_overlayer_lowered;
	s6 =	simm.s32 $_tile_overlayer_lowered  }
0x9b: {  	s22 =	simm.s32 $0x1BFF;
	s21 =	sshll.u32 s6, $0x1;
	s3 =	sadd.s32 s4, s19  }
0x9c: {  	s7 =	simm.s32 $0x0;
	s20 =	sshll.u32 s5, $0x1;
	s5 =	sadd.s32 s21, s3  }
0x9d: {  	[timem:s7], [sflag:s22] =	dma.local [hbm:s5], s20  }
0x9e: {  	_ =	swait.ge [sflag:s22], s20  }
0x9f: {  	s4 =	ssub.s32 $0x0, s20;
	[sflag:s22] =	ssyncset.done $0x0  }
0xa0: {  	[sflag:s22] =	ssyncadd.s32 s4;
	_ =	sdelay $0x1  }
0xa1: {  	s23 =	simm.s32 $0x1B8B  }
0xa2: {  	_ =	swait.ge [sflag:s23], $0x1  }
0xa3: {  	[sflag:s23] =	ssyncset.done $0x0  }
0xa4: {  	s25 =	simm.s32 $0x1B8E;
	s24 =	sld [smem:$0x3FFE];
	[sflag:s23] =	ssyncadd.s32 $0xFFFFFFFF  }
0xa5: {  	s26 =	simm.s32 $execute0_lowered;
	[smem:$0x3FD2] =	sst s25  }
0xa6: {  	s5 =	sshll.u32 s26, $0x1;
	_ =	strace $0x80000046;
	[dreg:$0x1] =	wrdreg $0xFFFFFFFF  }
0xa7: {  	s28 =	simm.s32 $_size_execute0_lowered;
	s3 =	sadd.s32 s3, s5;
	[dreg:$0x0] =	wrdreg $0x0  }
0xa8: {  	s5 =	sshll.u32 s28, $0x1;
	[dreg:$0x2] =	wrdreg s3  }
0xa9: {  	[dreg:$0x3] =	wrdreg s5  }
0xaa: {  	[dreg:$0x4] =	wrdreg $0xC0  }
0xab: {  	_ =	task [dreg:s7], $0x5FFFF  }
0xac: {  	[dreg:$0x1] =	wrdreg $0xFFFFFFFF  }
0xad: {  	[dreg:$0x0] =	wrdreg $0x60  }
0xae: {  	[dreg:$0x2] =	wrdreg s24  }
0xaf: {  	[dreg:$0x3] =	wrdreg s2  }
0xb0: {  	[dreg:$0x4] =	wrdreg $0x9  }
0xb1: {  	_ =	task.clear_ibuf [dreg:s7], $0x5FFFF;
	_ =	strace $0x90000046  }
0xb2: {  	s29 =	simm.s32 $0x9;
	_ =	strace $0x80000048  }
0xb3: {  	_ =	swait.ge [sflag:s29], $0x1  }
0xb4: {  	[sflag:s29] =	ssyncadd.s32 $0xFFFFFFFF  }
0xb5: {  	_ =	strace $0x90000048  }
0xb6: {  	_ =	sfence  }
0xb7: {  	s30 =	sld [smem:$0x0];
	_ =	sdelay $0x2  }
0xb8: {  	s31 =	sshll.u32 s1, $0xD;
	s1 =	sshrl.u32 s1, $0x2  }
0xb9: {  	s3 =	sand.u32 $0x4000, s31;
	s1 =	sadd.s32 s1, s30  }
0xba: {  	s0 =	sor.u32 s3, s0;
	s1 =	sshll.u32 s1, $0x11  }
0xbb: {  	s0 =	sor.u32 s1, s0  }
0xbc: {  	s0 =	sadd.s32 $0x8F2B, s0  }
0xbd: {  	[sflag:s0] =	ssyncadd.remote.s32 $0x1  }
0xbe: {  	_ =	sfence.sel $0xFFFF  }
0xbf: {  	[dreg:$0x0] =	wrdreg $0xFFFFFFFF;
	(pc) =	sbr.abs _section_cstart, $3  }
0xc0: {  	[dreg:$0x1] =	wrdreg $0xFFFFFFFF  }
0xc1: {  	_ =	task.clear_ibuf [dreg:s7], $0x2FFFF;
	_ =	strace $0x9FFFFFFF  }
0xc2: {  	(tm) =	ssettm $0x7FFFFFFF  }
0xc3: {  	_ =	shalt  }
tec
execute0_lowered:
.L_overlay_start_1:
0x0: {  	(tag) =	ssettag $0x1  }
0x1: {  	s1 =	srdreg.scid;
	s0 =	stileid.u32  }
0x2: {  	s16 =	sand.u32 $0x1, s1;
	s30 =	sshll.u32 s0, $0x1  }
0x3: {  	s5 =	rddreg [dreg:$0x0];
	s17 =	sor.u32 s16, s30  }
0x4: {  	s18 =	rddreg [dreg:$0x1];
	s3 =	smul.u32 $0x50, s17  }
0x5: {  	s2 =	simm.s32 $0x0;
	s1 =	rddreg [dreg:$0x2]  }
0x6: {  	[smem:$0x7FF] =	sst s2;
	s3 =	sadd.s32 s3, s5  }
0x7: {  	_ =	strace $0x80000047;
	s4 =	sadd.s32 $0x200, s3;
	s3 =	simm.s32 $0x2  }
0x8: {  	[tilespmem:s2], [sflag:$0x2] =	stream.linear.gather [hbm4b:s4+s2], $0x280, $0x38;
	[tilespmem:$0x5280] =	vst v63  }
0x9: {  	_ =	swait.ge [sflag:s3], $0x280  }
0xa: {  	s6 =	simm.s32 $0x80;
	[sflag:s3] =	ssyncset.done $0x0  }
0xb: {  	s7 =	simm.s32 $0x280;
	s5 =	sadd.s32 $0xC00, s5;
	[sflag:s3] =	ssyncadd.s32 $0xFFFFFD80  }
0xc: {  	[tilespmem:s7], [sflag:$0x1] =	stream.indirect.gather [hbm4b:s5+s6], $0x20, s2, s6, $0xb8;
	[tilespmem:$0x5280] =	vst v63  }
0xd: {  	s8 =	simm.s32 $0x1280  }
0xe: {  	[tilespmem:s8], [sflag:$0x1] =	stream.indirect.gather [hbm4b:s5+s6], $0x20, s6, s6, $0xb8;
	[tilespmem:$0x5280] =	vst v63  }
0xf: {  	s9 =	simm.s32 $0x100;
	s10 =	simm.s32 $0x2280  }
0x10: {  	[tilespmem:s10], [sflag:$0x1] =	stream.indirect.gather [hbm4b:s5+s6], $0x20, s9, s6, $0xb8;
	[tilespmem:$0x5280] =	vst v63  }
0x11: {  	s11 =	simm.s32 $0x180;
	s12 =	simm.s32 $0x3280  }
0x12: {  	[tilespmem:s12], [sflag:$0x1] =	stream.indirect.gather [hbm4b:s5+s6], $0x20, s11, s6, $0xb8;
	[tilespmem:$0x5280] =	vst v63  }
0x13: {  	s13 =	simm.s32 $0x200;
	s14 =	simm.s32 $0x4280;
	s15 =	simm.s32 $0x1  }
0x14: {  	[tilespmem:s14], [sflag:$0x1] =	stream.indirect.gather [hbm4b:s5+s6], $0x20, s13, s6, $0xb8;
	[tilespmem:$0x5280] =	vst v63  }
0x15: {  	_ =	swait.ge [sflag:s15], $0x1000  }
0x16: {  	[sflag:s15] =	ssyncset.done $0x0  }
0x17: {  	[sflag:s15] =	ssyncadd.s32 $0xFFFFF000  }
0x18: {  	_ =	swait.ge [sflag:s15], $0x1000  }
0x19: {  	[sflag:s15] =	ssyncset.done $0x0  }
0x1a: {  	[sflag:s15] =	ssyncadd.s32 $0xFFFFF000  }
0x1b: {  	_ =	swait.ge [sflag:s15], $0x1000  }
0x1c: {  	[sflag:s15] =	ssyncset.done $0x0  }
0x1d: {  	s16 =	ssub.s32 $0x2, s16;
	[sflag:s15] =	ssyncadd.s32 $0xFFFFF000  }
0x1e: {  	s19 =	sshrl.u32 s16, $0x1;
	_ =	swait.ge [sflag:s15], $0x1000  }
0x1f: {  	s19 =	ssub.s32 s16, s19;
	[sflag:s15] =	ssyncset.done $0x0  }
0x20: {  	s31 =	smax.u32 s19, $0x1;
	[sflag:s15] =	ssyncadd.s32 $0xFFFFF000  }
0x21: {  	s17 =	smul.u32 $0xA00, s17;
	p0 =	sne.s32 s31, $0x1;
	_ =	swait.ge [sflag:s15], $0x1000  }
.Ltmp0:
0x22: {  	[sflag:s15] =	ssyncset.done $0x0;
	(pc) =	sbr.rel @!p0 .LBB2_2-.Ltmp0, $4  }
0x23: {  	s16 =	sadd.s32 s18, s17;
	[sflag:s15] =	ssyncadd.s32 $0xFFFFF000  }
0x24: {  	[hbm4b:s16+s2] =	stream.linear.scatter [tilespmem:s7], [sflag:$0x2], $0x5000, $0x38;
	[tilespmem:$0x5280] =	vst v63  }
0x25: {  	_ =	swait.ge [sflag:s3], $0x5000  }
0x26: {  	s17 =	sadd.s32 $0xFFFFFFFF, s31;
	[sflag:s3] =	ssyncset.done $0x0  }
.LBB2_1:
0x27: {  	p0 =	sne.s32 s17, $0x1;
	s17 =	sadd.s32 $0xFFFFFFFF, s17;
	[sflag:s3] =	ssyncadd.s32 $0xFFFFB000  }
0x28: {  	[tilespmem:s2], [sflag:$0x2] =	stream.linear.gather [hbm4b:s4+s2], $0x280, $0x38;
	[tilespmem:$0x5280] =	vst v63  }
0x29: {  	_ =	swait.ge [sflag:s3], $0x280  }
0x2a: {  	[sflag:s3] =	ssyncset.done $0x0  }
0x2b: {  	[sflag:s3] =	ssyncadd.s32 $0xFFFFFD80  }
0x2c: {  	[tilespmem:s7], [sflag:$0x1] =	stream.indirect.gather [hbm4b:s5+s6], $0x20, s2, s6, $0xb8;
	[tilespmem:$0x5280] =	vst v63  }
0x2d: {  	_ = 	snop  }
0x2e: {  	[tilespmem:s8], [sflag:$0x1] =	stream.indirect.gather [hbm4b:s5+s6], $0x20, s6, s6, $0xb8;
	[tilespmem:$0x5280] =	vst v63  }
0x2f: {  	_ = 	snop  }
0x30: {  	[tilespmem:s10], [sflag:$0x1] =	stream.indirect.gather [hbm4b:s5+s6], $0x20, s9, s6, $0xb8;
	[tilespmem:$0x5280] =	vst v63  }
0x31: {  	_ = 	snop  }
0x32: {  	[tilespmem:s12], [sflag:$0x1] =	stream.indirect.gather [hbm4b:s5+s6], $0x20, s11, s6, $0xb8;
	[tilespmem:$0x5280] =	vst v63  }
0x33: {  	_ = 	snop  }
0x34: {  	[tilespmem:s14], [sflag:$0x1] =	stream.indirect.gather [hbm4b:s5+s6], $0x20, s13, s6, $0xb8;
	[tilespmem:$0x5280] =	vst v63  }
0x35: {  	_ =	swait.ge [sflag:s15], $0x1000  }
0x36: {  	[sflag:s15] =	ssyncset.done $0x0  }
0x37: {  	[sflag:s15] =	ssyncadd.s32 $0xFFFFF000  }
0x38: {  	_ =	swait.ge [sflag:s15], $0x1000  }
0x39: {  	[sflag:s15] =	ssyncset.done $0x0  }
0x3a: {  	[sflag:s15] =	ssyncadd.s32 $0xFFFFF000  }
0x3b: {  	_ =	swait.ge [sflag:s15], $0x1000  }
0x3c: {  	[sflag:s15] =	ssyncset.done $0x0  }
0x3d: {  	[sflag:s15] =	ssyncadd.s32 $0xFFFFF000  }
0x3e: {  	_ =	swait.ge [sflag:s15], $0x1000  }
0x3f: {  	[sflag:s15] =	ssyncset.done $0x0  }
0x40: {  	[sflag:s15] =	ssyncadd.s32 $0xFFFFF000  }
0x41: {  	_ =	swait.ge [sflag:s15], $0x1000  }
.Ltmp1:
0x42: {  	[sflag:s15] =	ssyncset.done $0x0;
	(pc) =	sbr.rel @p0 .LBB2_1-.Ltmp1, $4  }
0x43: {  	[sflag:s15] =	ssyncadd.s32 $0xFFFFF000  }
0x44: {  	[hbm4b:s16+s2] =	stream.linear.scatter [tilespmem:s7], [sflag:$0x2], $0x5000, $0x38;
	[tilespmem:$0x5280] =	vst v63  }
0x45: {  	_ =	swait.ge [sflag:s3], $0x5000  }
0x46: {  	[sflag:s3] =	ssyncset.done $0x0  }
.LBB2_2:
0x47: {  	[sflag:s3] =	ssyncadd.s32 $0xFFFFB000  }
0x48: {  	_ =	sfence.sel $0x180000  }
0x49: {  	[bflag:$0x0] =	sbarrier.arrive $0xFFFF  }
0x4a: {  	p0 =	sne.s32 s0, $0x0;
	_ =	strace $0x90000047  }
0x4b: {  	s0 =	sadd.s32 @!p0 $0x100000, s1;
	[bflag:$0x2] =	sbarrier.arrive $0xFFFF  }
0x4c: {  	[sflag:s0] =	ssyncadd.tile.s32 @!p0 $0x1;
	_ =	shalt  }
.Lfunc_end2:
_tile_overlayer_lowered:
.L_overlay_start_2:
0x4d: {  	(tag) =	ssettag $0x2  }
0x4e: {  	s0 =	rddreg [dreg:$0x0];
	s2 =	stileid.u32  }
0x4f: {  	s1 =	rddreg [dreg:$0x1];
	p0 =	sne.s32 s2, $0x0  }
0x50: {  	s3 =	rddreg [dreg:$0x2];
	[bflag:$0x3] =	sbarrier.arrive $0xFFFF;
	s2 =	simm.s32 @!p0 $0x1C02  }
0x51: {  	[timem:s3], [sflag:s2] =	dma.local @!p0 [hbm:s0], s1  }
0x52: {  	s0 =	simm.s32 @!p0 $0x2  }
0x53: {  	_ =	swait.ge @!p0 [sflag:s0], s1  }
0x54: {  	s1 =	ssub.s32 @!p0 $0x0, s1;
	[sflag:s0] =	ssyncset.done @!p0 $0x0  }
0x55: {  	[sflag:s0] =	ssyncadd.s32 @!p0 s1  }
0x56: {  	[bflag:$0x3] =	sbarrier.arrive $0xFFFF  }
0x57: {  	_ =	shalt  }

</sc_bundles>
